<compile_context>
chip_gen: v7x
topology: tpu7x:2x2x1
jax: 0.10.2.dev20260603
libtpu: 0.0.44.dev20260713+nightly
codegen_flags: <defaults>
</compile_context>

<pallas_src>
import functools
import math

import jax
import jax.numpy as jnp
from jax.experimental import pallas as pl

IMG_SIZE = 1024.0
EMBED_DIM = 256
NUM_POS_FEATS = 128
B, N = 4096, 50
BN = B * N

_SIN_C = (6.28318282, -41.34142155, 81.59618767, -76.58013845,
          41.20556003, -12.27152265)
_COS_C = (0.99999999, -19.73920453, 64.93911913, -85.45016824,
          60.16785437, -25.96840047, 6.52973539)


def _horner(coefs, x):
    acc = jnp.full_like(x, coefs[-1])
    for c in coefs[-2::-1]:
        acc = acc * x + c
    return acc


def _body(c_ref, l_ref, g_ref, w_ref, o_ref):
    c = c_ref[...]
    g = g_ref[...]
    lab = l_ref[...]
    w = w_ref[...]

    cn = (c + 0.5) * (2.0 / IMG_SIZE) - 1.0
    turns = jnp.dot(cn.astype(jnp.bfloat16), g.astype(jnp.bfloat16),
                    preferred_element_type=jnp.float32)
    q = turns - jnp.round(turns)
    s2 = q * q
    sin_v = _horner(_SIN_C, s2) * q
    cos_v = _horner(_COS_C, s2)

    iota = jax.lax.broadcasted_iota(jnp.int32, (lab.shape[0], 8), 1) - 1
    oh = (lab == iota).astype(jnp.bfloat16)
    m = jnp.dot(oh, w.astype(jnp.bfloat16),
                preferred_element_type=jnp.float32)
    keep = 1.0 - m[:, 2 * NUM_POS_FEATS:]
    o_ref[:, :NUM_POS_FEATS] = sin_v * keep + m[:, :NUM_POS_FEATS]
    o_ref[:, NUM_POS_FEATS:] = cos_v * keep + m[:, NUM_POS_FEATS:2 * NUM_POS_FEATS]


@functools.partial(jax.jit, static_argnames=())
def kernel(point_coords, point_labels, gaussian_matrix, not_a_point_embed,
           pe0, pe1, pe2, pe3):
    coords = point_coords.reshape(BN, 2)
    labels = point_labels.reshape(BN, 1).astype(jnp.int32)
    table = jnp.stack([not_a_point_embed, pe0, pe1, pe2, pe3])
    table = jnp.concatenate(
        [table, jnp.zeros((3, EMBED_DIM), jnp.float32)], axis=0)
    kill = jnp.zeros((8, NUM_POS_FEATS), jnp.float32).at[0, :].set(1.0)
    wmat = jnp.concatenate([table, kill], axis=1)

    R = 2048
    out = pl.pallas_call(
        _body,
        grid=(BN // R,),
        in_specs=[
            pl.BlockSpec((R, 2), lambda i: (i, 0)),
            pl.BlockSpec((R, 1), lambda i: (i, 0)),
            pl.BlockSpec((2, NUM_POS_FEATS), lambda i: (0, 0)),
            pl.BlockSpec((8, 3 * NUM_POS_FEATS), lambda i: (0, 0)),
        ],
        out_specs=pl.BlockSpec((R, EMBED_DIM), lambda i: (i, 0)),
        out_shape=jax.ShapeDtypeStruct((BN, EMBED_DIM), jnp.float32),
    )(coords, labels, gaussian_matrix, wmat)
    return out.reshape(B, N, EMBED_DIM)

# --- scband reference (transcript-rebuilt; emitter-appended) ---
"""Pipeline reference for scband-part1-vanilla-44848048505340 (READ-ONLY COPY).

The authoritative reference and input builder live on the scoring server;
editing this copy changes nothing except your own understanding.
"""

import jax, jax.numpy as jnp
import numpy as np

IMG_SIZE = 1024.0
EMBED_DIM = 256
NUM_POS_FEATS = 128
B, N = 4096, 50


def setup_inputs(seed: int = 0) -> dict:
    key = jax.random.key(seed)
    k1, k2, k3, k4, k5 = jax.random.split(key, 5)
    point_coords = jax.random.uniform(k1, (B, N, 2), dtype=jnp.float32) * IMG_SIZE
    # labels in {-1, 0, 1, 2, 3}
    point_labels = jax.random.randint(k2, (B, N), 0, 5, dtype=jnp.int64 if jax.config.jax_enable_x64 else jnp.int32) - 1
    gaussian_matrix = jax.random.normal(k3, (2, NUM_POS_FEATS), dtype=jnp.float32)
    not_a_point_embed = jax.random.normal(k4, (EMBED_DIM,), dtype=jnp.float32) * 0.02
    ks = jax.random.split(k5, 4)
    pe0 = jax.random.normal(ks[0], (EMBED_DIM,), dtype=jnp.float32) * 0.02
    pe1 = jax.random.normal(ks[1], (EMBED_DIM,), dtype=jnp.float32) * 0.02
    pe2 = jax.random.normal(ks[2], (EMBED_DIM,), dtype=jnp.float32) * 0.02
    pe3 = jax.random.normal(ks[3], (EMBED_DIM,), dtype=jnp.float32) * 0.02
    return {
        'point_coords': point_coords,
        'point_labels': point_labels,
        'gaussian_matrix': gaussian_matrix,
        'not_a_point_embed': not_a_point_embed,
        'pe0': pe0, 'pe1': pe1, 'pe2': pe2, 'pe3': pe3,
    }


def reference(point_coords, point_labels, gaussian_matrix, not_a_point_embed, pe0, pe1, pe2, pe3):
    coords = point_coords + 0.5
    coords = coords / IMG_SIZE
    coords = 2.0 * coords - 1.0
    coords = coords @ gaussian_matrix
    coords = 2.0 * 3.141592653589793 * coords
    point_embedding = jnp.concatenate([jnp.sin(coords), jnp.cos(coords)], axis=-1)
    m_neg = (point_labels == -1)[..., None]
    # zero out not-a-point positions, then add not_a_point embedding there
    point_embedding = jnp.where(m_neg, 0.0, point_embedding)
    point_embedding = point_embedding + m_neg.astype(point_embedding.dtype) * not_a_point_embed
    point_embedding = point_embedding + (point_labels == 0)[..., None].astype(point_embedding.dtype) * pe0
    point_embedding = point_embedding + (point_labels == 1)[..., None].astype(point_embedding.dtype) * pe1
    point_embedding = point_embedding + (point_labels == 2)[..., None].astype(point_embedding.dtype) * pe2
    point_embedding = point_embedding + (point_labels == 3)[..., None].astype(point_embedding.dtype) * pe3
    return point_embedding

if __name__ == "__main__":
    import jax
    _d = setup_inputs()
    print(jax.jit(kernel)(*tuple(_d.values())))

</pallas_src>

<mosaic_0001>
module attributes {stable_mosaic.version = 14 : i64} {
  func.func @_body(%arg0: i32, %arg1: memref<2048x2xf32, #tpu.memory_space<vmem>>, %arg2: memref<2048x1xi32, #tpu.memory_space<vmem>>, %arg3: memref<2x128xf32, #tpu.memory_space<vmem>>, %arg4: memref<8x384xf32, #tpu.memory_space<vmem>>, %arg5: memref<2048x256xf32, #tpu.memory_space<vmem>>) attributes {dimension_semantics = [#tpu.dimension_semantics<arbitrary>], iteration_bounds = array<i64: 100>, scalar_prefetch = 0 : i64, scratch_operands = 0 : i64, tpu.core_type = #tpu.core_type<tc>, window_params = [{transform_indices = @transform_0, window_bounds = array<i64: 2048, 2>}, {transform_indices = @transform_1, window_bounds = array<i64: 2048, 1>}, {pipeline_mode = #tpu.pipeline_mode<synchronous>, transform_indices = @transform_2, window_bounds = array<i64: 2, 128>}, {pipeline_mode = #tpu.pipeline_mode<synchronous>, transform_indices = @transform_3, window_bounds = array<i64: 8, 384>}, {transform_indices = @transform_4, window_bounds = array<i64: 2048, 256>}]} {
    %get3A = arith.constant 0 : index
    %get3A_0 = arith.constant 0 : index
    %get3A_1 = vector.load %arg1[%get3A, %get3A_0] : memref<2048x2xf32, #tpu.memory_space<vmem>>, vector<2048x2xf32>
    %get3A_2 = arith.constant 0 : index
    %get3A_3 = arith.constant 0 : index
    %get3A_4 = vector.load %arg3[%get3A_2, %get3A_3] : memref<2x128xf32, #tpu.memory_space<vmem>>, vector<2x128xf32>
    %get3A_5 = arith.constant 0 : index
    %get3A_6 = arith.constant 0 : index
    %get3A_7 = vector.load %arg2[%get3A_5, %get3A_6] : memref<2048x1xi32, #tpu.memory_space<vmem>>, vector<2048x1xi32>
    %get3A_8 = arith.constant 0 : index
    %get3A_9 = arith.constant 0 : index
    %get3A_10 = vector.load %arg4[%get3A_8, %get3A_9] : memref<8x384xf32, #tpu.memory_space<vmem>>, vector<8x384xf32>
    %add3A = arith.constant 5.000000e-01 : f32
    %add3A_11 = vector.broadcast %add3A : f32 to vector<2048x2xf32>
    %add3A_12 = arith.addf %get3A_1, %add3A_11 : vector<2048x2xf32>
    %mul3A = arith.constant 0.001953125 : f32
    %mul3A_13 = vector.broadcast %mul3A : f32 to vector<2048x2xf32>
    %mul3A_14 = arith.mulf %add3A_12, %mul3A_13 : vector<2048x2xf32>
    %sub3A = arith.constant 1.000000e+00 : f32
    %sub3A_15 = vector.broadcast %sub3A : f32 to vector<2048x2xf32>
    %sub3A_16 = arith.subf %mul3A_14, %sub3A_15 : vector<2048x2xf32>
    %convert_element_type3A = arith.truncf %sub3A_16 : vector<2048x2xf32> to vector<2048x2xbf16>
    %convert_element_type3A_17 = arith.truncf %get3A_4 : vector<2x128xf32> to vector<2x128xbf16>
    %dot_general3A = arith.constant dense<0.000000e+00> : vector<2048x128xf32>
    %dot_general3A_18 = tpu.matmul %convert_element_type3A, %convert_element_type3A_17, %dot_general3A {dimension_numbers = #tpu.dot_dimension_numbers<[1], [0], [0], [1], [0, 0, 1, 1], [], []>, transpose_lhs_hint = false} : vector<2048x2xbf16>, vector<2x128xbf16>, vector<2048x128xf32> -> vector<2048x128xf32>
    %round3A = math.roundeven %dot_general3A_18 : vector<2048x128xf32>
    %sub3A_19 = arith.subf %dot_general3A_18, %round3A : vector<2048x128xf32>
    %mul3A_20 = arith.mulf %sub3A_19, %sub3A_19 : vector<2048x128xf32>
    %broadcast_in_dim3A = arith.constant -12.2715225 : f32
    %broadcast_in_dim3A_21 = vector.broadcast %broadcast_in_dim3A : f32 to vector<2048x128xf32>
    %mul3A_22 = arith.mulf %broadcast_in_dim3A_21, %mul3A_20 : vector<2048x128xf32>
    %add3A_23 = arith.constant 41.2055588 : f32
    %add3A_24 = vector.broadcast %add3A_23 : f32 to vector<2048x128xf32>
    %add3A_25 = arith.addf %mul3A_22, %add3A_24 : vector<2048x128xf32>
    %mul3A_26 = arith.mulf %add3A_25, %mul3A_20 : vector<2048x128xf32>
    %add3A_27 = arith.constant -76.5801392 : f32
    %add3A_28 = vector.broadcast %add3A_27 : f32 to vector<2048x128xf32>
    %add3A_29 = arith.addf %mul3A_26, %add3A_28 : vector<2048x128xf32>
    %mul3A_30 = arith.mulf %add3A_29, %mul3A_20 : vector<2048x128xf32>
    %add3A_31 = arith.constant 81.5961914 : f32
    %add3A_32 = vector.broadcast %add3A_31 : f32 to vector<2048x128xf32>
    %add3A_33 = arith.addf %mul3A_30, %add3A_32 : vector<2048x128xf32>
    %mul3A_34 = arith.mulf %add3A_33, %mul3A_20 : vector<2048x128xf32>
    %add3A_35 = arith.constant -41.341423 : f32
    %add3A_36 = vector.broadcast %add3A_35 : f32 to vector<2048x128xf32>
    %add3A_37 = arith.addf %mul3A_34, %add3A_36 : vector<2048x128xf32>
    %mul3A_38 = arith.mulf %add3A_37, %mul3A_20 : vector<2048x128xf32>
    %add3A_39 = arith.constant 6.28318262 : f32
    %add3A_40 = vector.broadcast %add3A_39 : f32 to vector<2048x128xf32>
    %add3A_41 = arith.addf %mul3A_38, %add3A_40 : vector<2048x128xf32>
    %mul3A_42 = arith.mulf %add3A_41, %sub3A_19 : vector<2048x128xf32>
    %broadcast_in_dim3A_43 = arith.constant 6.52973557 : f32
    %broadcast_in_dim3A_44 = vector.broadcast %broadcast_in_dim3A_43 : f32 to vector<2048x128xf32>
    %mul3A_45 = arith.mulf %broadcast_in_dim3A_44, %mul3A_20 : vector<2048x128xf32>
    %add3A_46 = arith.constant -25.968401 : f32
    %add3A_47 = vector.broadcast %add3A_46 : f32 to vector<2048x128xf32>
    %add3A_48 = arith.addf %mul3A_45, %add3A_47 : vector<2048x128xf32>
    %mul3A_49 = arith.mulf %add3A_48, %mul3A_20 : vector<2048x128xf32>
    %add3A_50 = arith.constant 60.1678543 : f32
    %add3A_51 = vector.broadcast %add3A_50 : f32 to vector<2048x128xf32>
    %add3A_52 = arith.addf %mul3A_49, %add3A_51 : vector<2048x128xf32>
    %mul3A_53 = arith.mulf %add3A_52, %mul3A_20 : vector<2048x128xf32>
    %add3A_54 = arith.constant -85.4501647 : f32
    %add3A_55 = vector.broadcast %add3A_54 : f32 to vector<2048x128xf32>
    %add3A_56 = arith.addf %mul3A_53, %add3A_55 : vector<2048x128xf32>
    %mul3A_57 = arith.mulf %add3A_56, %mul3A_20 : vector<2048x128xf32>
    %add3A_58 = arith.constant 64.9391174 : f32
    %add3A_59 = vector.broadcast %add3A_58 : f32 to vector<2048x128xf32>
    %add3A_60 = arith.addf %mul3A_57, %add3A_59 : vector<2048x128xf32>
    %mul3A_61 = arith.mulf %add3A_60, %mul3A_20 : vector<2048x128xf32>
    %add3A_62 = arith.constant -19.7392044 : f32
    %add3A_63 = vector.broadcast %add3A_62 : f32 to vector<2048x128xf32>
    %add3A_64 = arith.addf %mul3A_61, %add3A_63 : vector<2048x128xf32>
    %mul3A_65 = arith.mulf %add3A_64, %mul3A_20 : vector<2048x128xf32>
    %add3A_66 = arith.constant 1.000000e+00 : f32
    %add3A_67 = vector.broadcast %add3A_66 : f32 to vector<2048x128xf32>
    %add3A_68 = arith.addf %mul3A_65, %add3A_67 : vector<2048x128xf32>
    %iota3A = tpu.iota {dimensions = array<i32: 1>} : vector<2048x8xi32>
    %sub3A_69 = arith.constant 1 : i32
    %sub3A_70 = vector.broadcast %sub3A_69 : i32 to vector<2048x8xi32>
    %sub3A_71 = arith.subi %iota3A, %sub3A_70 : vector<2048x8xi32>
    %eq3A = vector.broadcast %get3A_7 : vector<2048x1xi32> to vector<2048x8xi32>
    %eq3A_72 = arith.cmpi eq, %eq3A, %sub3A_71 : vector<2048x8xi32>
    %convert_element_type3A_73 = arith.extui %eq3A_72 : vector<2048x8xi1> to vector<2048x8xi32>
    %convert_element_type3A_74 = arith.sitofp %convert_element_type3A_73 : vector<2048x8xi32> to vector<2048x8xf32>
    %convert_element_type3A_75 = arith.truncf %convert_element_type3A_74 : vector<2048x8xf32> to vector<2048x8xbf16>
    %convert_element_type3A_76 = arith.truncf %get3A_10 : vector<8x384xf32> to vector<8x384xbf16>
    %dot_general3A_77 = arith.constant dense<0.000000e+00> : vector<2048x384xf32>
    %dot_general3A_78 = tpu.matmul %convert_element_type3A_75, %convert_element_type3A_76, %dot_general3A_77 {dimension_numbers = #tpu.dot_dimension_numbers<[1], [0], [0], [1], [0, 0, 1, 1], [], []>, transpose_lhs_hint = false} : vector<2048x8xbf16>, vector<8x384xbf16>, vector<2048x384xf32> -> vector<2048x384xf32>
    %slice3A = vector.extract_strided_slice %dot_general3A_78 {offsets = [0, 256], sizes = [2048, 128], strides = [1, 1]} : vector<2048x384xf32> to vector<2048x128xf32>
    %sub3A_79 = arith.constant 1.000000e+00 : f32
    %sub3A_80 = vector.broadcast %sub3A_79 : f32 to vector<2048x128xf32>
    %sub3A_81 = arith.subf %sub3A_80, %slice3A : vector<2048x128xf32>
    %mul3A_82 = arith.mulf %mul3A_42, %sub3A_81 : vector<2048x128xf32>
    %slice3A_83 = vector.extract_strided_slice %dot_general3A_78 {offsets = [0, 0], sizes = [2048, 128], strides = [1, 1]} : vector<2048x384xf32> to vector<2048x128xf32>
    %add3A_84 = arith.addf %mul3A_82, %slice3A_83 : vector<2048x128xf32>
    %swap3A = arith.constant 0 : index
    %swap3A_85 = arith.constant 0 : index
    %swap3A_86 = vector.load %arg5[%swap3A, %swap3A_85] : memref<2048x256xf32, #tpu.memory_space<vmem>>, vector<2048x128xf32>
    tpu.vector_store %arg5[%swap3A, %swap3A_85], %add3A_84 {strides = array<i32>} : memref<2048x256xf32, #tpu.memory_space<vmem>>, vector<2048x128xf32>,
    %mul3A_87 = arith.mulf %add3A_68, %sub3A_81 : vector<2048x128xf32>
    %slice3A_88 = vector.extract_strided_slice %dot_general3A_78 {offsets = [0, 128], sizes = [2048, 128], strides = [1, 1]} : vector<2048x384xf32> to vector<2048x128xf32>
    %add3A_89 = arith.addf %mul3A_87, %slice3A_88 : vector<2048x128xf32>
    %swap3A_90 = arith.constant 0 : index
    %swap3A_91 = arith.constant 128 : index
    %swap3A_92 = vector.load %arg5[%swap3A_90, %swap3A_91] : memref<2048x256xf32, #tpu.memory_space<vmem>>, vector<2048x128xf32>
    tpu.vector_store %arg5[%swap3A_90, %swap3A_91], %add3A_89 {strides = array<i32>} : memref<2048x256xf32, #tpu.memory_space<vmem>>, vector<2048x128xf32>,
    return
  }
  func.func @transform_0(%arg0: i32) -> (i32, i32) {
    %c0_i32 = arith.constant 0 : i32
    %c0_i32_0 = arith.constant 0 : i32
    return %arg0, %c0_i32 : i32, i32
  }
  func.func @transform_1(%arg0: i32) -> (i32, i32) {
    %c0_i32 = arith.constant 0 : i32
    %c0_i32_0 = arith.constant 0 : i32
    return %arg0, %c0_i32 : i32, i32
  }
  func.func @transform_2(%arg0: i32) -> (i32, i32) {
    %c0_i32 = arith.constant 0 : i32
    %c0_i32_0 = arith.constant 0 : i32
    %c0_i32_1 = arith.constant 0 : i32
    return %c0_i32, %c0_i32_0 : i32, i32
  }
  func.func @transform_3(%arg0: i32) -> (i32, i32) {
    %c0_i32 = arith.constant 0 : i32
    %c0_i32_0 = arith.constant 0 : i32
    %c0_i32_1 = arith.constant 0 : i32
    return %c0_i32, %c0_i32_0 : i32, i32
  }
  func.func @transform_4(%arg0: i32) -> (i32, i32) {
    %c0_i32 = arith.constant 0 : i32
    %c0_i32_0 = arith.constant 0 : i32
    return %arg0, %c0_i32 : i32, i32
  }
}

</mosaic_0001>

<sc_bundles>
// kernel: sparse-core-data-format-call.cloned.1.call-start
scs
called_computation_lowered:
.L_overlay_start_0:
0x0: {  	s2 =	sld [smem:$0x3FD9]  }
0x1: {  	s3 =	sld [smem:$0x3FFE];
	_ =	sdelay $0x1  }
0x2: {  	s1 =	srdreg.scid  }
0x3: {  	s0 =	sand.u32 $0x1, s1  }
0x4: {  	s18 =	sshll.u32 s0, $0xA;
	s2 =	sadd.s32 s3, s2  }
0x5: {  	s2 =	sadd.s32 s2, s18  }
0x6: {  	[smem:$0x3FC0] =	sst s2  }
0x7: {  	_ = 	snop  }
0x8: {  	s2 =	sld [smem:$0x3FD0];
	(tm) =	ssettm $0x1  }
0x9: {  	s19 =	sld [smem:$0x3FFB];
	_ =	sdelay $0x3  }
0xa: {  	_ =	strace s19  }
0xb: {  	s3 =	sld [smem:$0x3FFC];
	_ =	sdelay $0x3  }
0xc: {  	_ =	strace s3  }
0xd: {  	s3 =	sld [smem:$0x3FFD];
	_ =	sdelay $0x3  }
0xe: {  	_ =	strace s3  }
0xf: {  	_ =	strace $0x8FFFFFFF  }
0x10: {  	s20 =	sld [smem:$0x3FDB];
	_ =	sdelay $0x1  }
0x11: {  	s4 =	simm.s32 $_scs_section_size  }
0x12: {  	s5 =	simm.s32 $_size__tile_overlayer_lowered;
	s6 =	simm.s32 $_tile_overlayer_lowered  }
0x13: {  	s23 =	simm.s32 $0x1BFF;
	s22 =	sshll.u32 s6, $0x1;
	s3 =	sadd.s32 s4, s20  }
0x14: {  	s7 =	simm.s32 $0x0;
	s21 =	sshll.u32 s5, $0x1;
	s5 =	sadd.s32 s22, s3  }
0x15: {  	[timem:s7], [sflag:s23] =	dma.local [hbm:s5], s21  }
0x16: {  	_ =	swait.ge [sflag:s23], s21  }
0x17: {  	s4 =	ssub.s32 $0x0, s21;
	[sflag:s23] =	ssyncset.done $0x0  }
0x18: {  	[sflag:s23] =	ssyncadd.s32 s4;
	_ =	sdelay $0x1  }
0x19: {  	s24 =	simm.s32 $0x1B8B  }
0x1a: {  	_ =	swait.ge [sflag:s24], $0x1  }
0x1b: {  	[sflag:s24] =	ssyncset.done $0x0  }
0x1c: {  	s26 =	simm.s32 $0x1B8E;
	s25 =	sld [smem:$0x3FFE];
	[sflag:s24] =	ssyncadd.s32 $0xFFFFFFFF  }
0x1d: {  	s27 =	simm.s32 $execute0_lowered;
	[smem:$0x3FD2] =	sst s26  }
0x1e: {  	s5 =	sshll.u32 s27, $0x1;
	_ =	strace $0x80000046;
	[dreg:$0x1] =	wrdreg $0xFFFFFFFF  }
0x1f: {  	s28 =	simm.s32 $_size_execute0_lowered;
	s3 =	sadd.s32 s3, s5;
	[dreg:$0x0] =	wrdreg $0x0  }
0x20: {  	s5 =	sshll.u32 s28, $0x1;
	[dreg:$0x2] =	wrdreg s3  }
0x21: {  	[dreg:$0x3] =	wrdreg s5  }
0x22: {  	[dreg:$0x4] =	wrdreg $0xC0  }
0x23: {  	_ =	task [dreg:s7], $0x5FFFF  }
0x24: {  	[dreg:$0x1] =	wrdreg $0xFFFFFFFF  }
0x25: {  	[dreg:$0x0] =	wrdreg $0x60  }
0x26: {  	[dreg:$0x2] =	wrdreg s25  }
0x27: {  	[dreg:$0x3] =	wrdreg s2  }
0x28: {  	[dreg:$0x4] =	wrdreg $0x9  }
0x29: {  	_ =	task.clear_ibuf [dreg:s7], $0x5FFFF;
	_ =	strace $0x90000046  }
0x2a: {  	s29 =	simm.s32 $0x9;
	_ =	strace $0x80000048  }
0x2b: {  	_ =	swait.ge [sflag:s29], $0x1  }
0x2c: {  	[sflag:s29] =	ssyncadd.s32 $0xFFFFFFFF  }
0x2d: {  	_ =	strace $0x90000048  }
0x2e: {  	_ =	sfence  }
0x2f: {  	s30 =	sld [smem:$0x0];
	_ =	sdelay $0x2  }
0x30: {  	s31 =	sshll.u32 s1, $0xD;
	s1 =	sshrl.u32 s1, $0x2  }
0x31: {  	s3 =	sand.u32 $0x4000, s31;
	s1 =	sadd.s32 s1, s30  }
0x32: {  	s0 =	sor.u32 s3, s0;
	s1 =	sshll.u32 s1, $0x11  }
0x33: {  	s0 =	sor.u32 s1, s0  }
0x34: {  	s0 =	sadd.s32 $0x8F2B, s0  }
0x35: {  	[sflag:s0] =	ssyncadd.remote.s32 $0x1  }
0x36: {  	_ =	sfence.sel $0xFFFF  }
0x37: {  	[dreg:$0x0] =	wrdreg $0xFFFFFFFF;
	(pc) =	sbr.abs _section_cstart, $3  }
0x38: {  	[dreg:$0x1] =	wrdreg $0xFFFFFFFF  }
0x39: {  	_ =	task.clear_ibuf [dreg:s7], $0x2FFFF;
	_ =	strace $0x9FFFFFFF  }
0x3a: {  	(tm) =	ssettm $0x7FFFFFFF  }
0x3b: {  	_ =	shalt  }
tec
execute0_lowered:
.L_overlay_start_1:
0x0: {  	(tag) =	ssettag $0x1  }
0x1: {  	s0 =	srdreg.scid  }
0x2: {  	s1 =	sshll.u32 s0, $0x4  }
0x3: {  	s6 =	rddreg [dreg:$0x0];
	s0 =	stileid.u32;
	s1 =	sand.u32 $0x10, s1  }
0x4: {  	s3 =	rddreg [dreg:$0x1];
	s1 =	sor.u32 s0, s1  }
0x5: {  	s5 =	simm.s32 $0x1;
	s31 =	simm.s32 $0x2;
	s2 =	sshll.u32 s1, $0x7  }
0x6: {  	s14 =	simm.s32 $0x0;
	s8 =	simm.s32 $0x800;
	s4 =	ssub.s32 $0x1000, s2  }
0x7: {  	s9 =	simm.s32 $0x0;
	s15 =	simm.s32 $0x0;
	s30 =	sand.u32 $0xF80, s4  }
0x8: {  	s16 =	simm.s32 $0x0;
	s10 =	simm.s32 $0x0;
	p0 =	sne.s32 s30, $0x0  }
.Ltmp0:
0x9: {  	s7 =	sshrl.u32 s4, $0xC;
	s5 =	simm.s32 @!p0 $0x0;
	(pc) =	sbr.rel .LBB1_1-.Ltmp0, $4  }
0xa: {  	s11 =	simm.s32 $0x0;
	s1 =	rddreg [dreg:$0x2];
	s5 =	sadd.s32 s5, s7  }
0xb: {  	_ =	strace $0x80000047;
	s4 =	simm.s32 $0x1;
	s5 =	smul.u32 $0x64, s5  }
0xc: {  	s13 =	simm.s32 $0x0;
	s6 =	sadd.s32 $0x1200, s6;
	[sflag:s4] =	ssyncpa.u1 $0x0  }
0xd: {  	s12 =	smov.u32 s2;
	[sflag:s31] =	ssyncpa.u1 $0x0;
	s7 =	sor.u32 $0x1, s5  }
.LBB1_4:
0xe: {  	_ =	sdelay $0x3  }
0xf: {  	[tilespmem:v0+s19+$0xFFFFFFD0 ss:$0x1] =	vst.idx.msk $0xffff, v6  }
0x10: {  	v56 =	vld.idx.msk [tilespmem:v1+s18+$0x0 ss:$0x1], $0xffff;
	[tilespmem:v0+s19+$0xFFFFFFE0 ss:$0x1] =	vst.idx.msk $0xffff, v4  }
0x11: {  	v57 =	vld.idx.msk [tilespmem:v1+s18+$0xFFFFFF90 ss:$0x1], $0xffff;
	[tilespmem:v0+s19+$0xFFFFFFF0 ss:$0x1] =	vst.idx.msk $0xffff, v2  }
0x12: {  	v58 =	vld.idx.msk [tilespmem:v1+s18+$0xFFFFFFA0 ss:$0x1], $0xffff;
	[tilespmem:v0+s19+$0x0 ss:$0x1] =	vst.idx.msk $0xffff, v3  }
0x13: {  	v59 =	vld.idx.msk [tilespmem:v1+s18+$0xFFFFFFB0 ss:$0x1], $0xffff;
	[tilespmem:v0+s19+$0x10 ss:$0x1] =	vst.idx.msk $0xffff, v5  }
0x14: {  	v60 =	vld.idx.msk [tilespmem:v1+s18+$0xFFFFFFC0 ss:$0x1], $0xffff;
	[tilespmem:v0+s19+$0x20 ss:$0x1] =	vst.idx.msk $0xffff, v7  }
0x15: {  	v61 =	vld.idx.msk [tilespmem:v1+s18+$0xFFFFFFD0 ss:$0x1], $0xffff;
	s27 =	sshll.u32 s16, $0x8;
	[tilespmem:v0+s18+$0x30 ss:$0x1] =	vst.idx.msk $0xffff, v56  }
0x16: {  	s20 =	sshll.u32 s14, $0x3;
	v62 =	vld.idx.msk [tilespmem:v1+s18+$0xFFFFFFE0 ss:$0x1], $0xffff;
	s28 =	sshll.u32 s16, $0x7;
	s30 =	sand.u32 $0x78, s14;
	[tilespmem:v0+s18+$0xFFFFFFC0 ss:$0x1] =	vst.idx.msk $0xffff, v57  }
0x17: {  	v63 =	vld.idx.msk [tilespmem:v1+s18+$0xFFFFFFF0 ss:$0x1], $0xffff;
	s15 =	sshll.u32 s15, $0x11;
	s19 =	sand.u32 $0xFF800, s27;
	s20 =	sand.u32 $0xFFC00, s20;
	[tilespmem:v0+s18+$0xFFFFFFD0 ss:$0x1] =	vst.idx.msk $0xffff, v58  }
0x18: {  	s29 =	sand.u32 $0x300, s28;
	s16 =	sand.u32 $0x80, s28;
	s19 =	sadd.s32 s19, s20;
	[tilespmem:v0+s18+$0xFFFFFFE0 ss:$0x1] =	vst.idx.msk $0xffff, v59  }
0x19: {  	s31 =	sand.u32 $0x7, s14;
	s16 =	sor.u32 s16, s30;
	s19 =	sor.u32 s29, s19;
	[tilespmem:v0+s18+$0xFFFFFFF0 ss:$0x1] =	vst.idx.msk $0xffff, v60  }
0x1a: {  	s15 =	sadd.s32 s3, s15;
	s16 =	sshrl.u32 s16, $0x3;
	s19 =	sshrl.u32 s19, $0x3;
	[tilespmem:v0+s18+$0x0 ss:$0x1] =	vst.idx.msk $0xffff, v61  }
0x1b: {  	s14 =	sshll.u32 s31, $0x12;
	s15 =	sadd.s32 s16, s15;
	[tilespmem:v0+s18+$0x10 ss:$0x1] =	vst.idx.msk $0xffff, v62;
	s19 =	sand.u32 $0x1FFE0, s19  }
0x1c: {  	s14 =	sor.u32 $0x400, s14;
	[tilespmem:v0+s18+$0x20 ss:$0x1] =	vst.idx.msk $0xffff, v63;
	s15 =	sadd.s32 s19, s15  }
0x1d: {  	[hbm4b:s15+s14] =	stream.strided.scatter [tilespmem:s17], [sflag:$0x2], $0x4000, s8, s14, $0x38;
	[tilespmem:$0x10000] =	vst v63  }
.LBB1_5:
0x1e: {  	s17 =	sadd.s32 $0x80, s10  }
0x1f: {  	s14 =	simm.s32 $0x1;
	p1 =	sgt.s32 s17, $0xFF  }
0x20: {  	s14 =	simm.s32 @!p1 $0x0  }
0x21: {  	s18 =	sadd.s32 s14, s11  }
0x22: {  	s20 =	smov.u32 s12;
	s14 =	sadd.s32 $0x1000, s12;
	p2 =	sgt.s32 s18, $0x31  }
0x23: {  	s20 =	smov.u32 @p2 s14  }
0x24: {  	p0 =	slt.u32 s13, $0x2;
	s17 =	simm.s32 @p1 $0x0;
	p1 =	sgt.s32 s20, $0xFFF  }
0x25: {  	s19 =	simm.s32 @!p0 $0x2;
	s20 =	smov.u32 @p1 s2;
	p1 =	sne.s32 s13, s7  }
.Ltmp1:
0x26: {  	_ =	swait.ge @!p0 [sflag:s19], $0x4000;
	(pc) =	sbr.rel @!p1 .LBB1_6-.Ltmp1, $4  }
0x27: {  	s15 =	smov.u32 s11;
	[sflag:s19] =	ssyncset.done @!p0 $0x0  }
0x28: {  	s16 =	smov.u32 s12;
	s9 =	sadd.s32 $0x4000, s9;
	[sflag:s19] =	ssyncadd.s32 @!p0 $0xFFFFC000  }
0x29: {  	s18 =	simm.s32 @p2 $0x0;
	s14 =	smov.u32 s10;
	s10 =	smov.u32 s17  }
0x2a: {  	s11 =	smov.u32 s18;
	s13 =	sadd.s32 $0x1, s13;
	s12 =	smov.u32 s20  }
.LBB1_1:
0x2b: {  	p0 =	sge.u32 s13, s5  }
0x2c: {  	s17 =	sshll.u32 @!p0 s11, $0x8;
	s18 =	sshll.u32 @!p0 s10, $0x3  }
0x2d: {  	s19 =	sshll.u32 @!p0 s11, $0x7;
	s17 =	sand.u32 @!p0 $0xFFFFF800, s17;
	s18 =	sand.u32 @!p0 $0xFFFFFC00, s18  }
0x2e: {  	s17 =	sadd.s32 @!p0 s17, s18;
	s18 =	sand.u32 @!p0 $0x300, s19  }
0x2f: {  	s17 =	sor.u32 @!p0 s18, s17  }
0x30: {  	s17 =	sshrl.u32 @!p0 s17, $0x8  }
0x31: {  	s31 =	sadd.s32 $0xFFFFFFFF, s13;
	s18 =	smulhi.u32 @!p0 $0x4924925, s17  }
0x32: {  	s20 =	sxor.u32 @!p0 $0xFFFFFFFF, s13;
	s21 =	sand.u32 @!p0 $0x78, s10;
	s22 =	smul.u32 @!p0 $0x700, s12  }
0x33: {  	s20 =	sshll.u32 @!p0 s20, $0xE;
	s19 =	sand.u32 @!p0 $0x80, s19;
	s18 =	smul.u32 @!p0 $0x38, s18  }
0x34: {  	s20 =	sand.u32 @!p0 $0x4000, s20;
	s19 =	sor.u32 @!p0 s21, s19;
	s21 =	sand.u32 @!p0 $0x7, s10  }
0x35: {  	s17 =	ssub.s32 @!p0 s17, s18;
	s18 =	sshrl.u32 @!p0 s19, $0x3;
	s19 =	sadd.s32 @!p0 s6, s22  }
0x36: {  	s17 =	sshll.u32 @!p0 s17, $0x5;
	s18 =	sadd.s32 @!p0 s18, s19;
	s19 =	sshll.u32 @!p0 s21, $0x12  }
0x37: {  	s17 =	sadd.s32 @!p0 s17, s18;
	s18 =	sor.u32 @!p0 $0x80, s19;
	s19 =	simm.s32 @!p0 $0x3800  }
0x38: {  	[tilespmem:s20], [sflag:$0x1] =	stream.strided.gather @!p0 [hbm4b:s17+s18], $0x4000, s19, s18, $0x38;
	[tilespmem:$0x10000] =	vst v63  }
0x39: {  	p0 =	sge.u32 s31, s5  }
.Ltmp2:
0x3a: {  	_ = 	snop;
	(pc) =	sbr.rel @p0 .LBB1_5-.Ltmp2, $1  }
0x3b: {  	_ =	sdelay $0x3  }
0x3c: {  	s17 =	sand.u32 $0x4000, s9  }
0x3d: {  	s18 =	sor.u32 $0x70, s17  }
0x3e: {  	v1 =	vmov s18;
	_ =	sdelay $0x1  }
0x3f: {  	_ =	swait.ge [sflag:s4], $0x4000  }
0x40: {  	[sflag:s4] =	ssyncset.done $0x0  }
0x41: {  	s19 =	simm.s32 $0x0;
	[sflag:s4] =	ssyncadd.s32 $0xFFFFC000  }
0x42: {  	s17 =	sor.u32 $0x8040, s17;
	v7 =	vld.idx.msk [tilespmem:v1+s19+$0x0 ss:$0x1], $0xffff  }
0x43: {  	v0 =	vmov s17;
	v8 =	vld.idx.msk [tilespmem:v1+s19+$0xFFFFFF90 ss:$0x1], $0xffff  }
0x44: {  	v6 =	vld.idx.msk [tilespmem:v1+s19+$0xFFFFFFA0 ss:$0x1], $0xffff  }
0x45: {  	v4 =	vld.idx.msk [tilespmem:v1+s19+$0xFFFFFFB0 ss:$0x1], $0xffff  }
0x46: {  	v2 =	vld.idx.msk [tilespmem:v1+s19+$0xFFFFFFC0 ss:$0x1], $0xffff  }
0x47: {  	s31 =	sshll.u32 s13, $0xE;
	v3 =	vld.idx.msk [tilespmem:v1+s19+$0xFFFFFFD0 ss:$0x1], $0xffff  }
0x48: {  	s17 =	sand.u32 $0x4000, s31;
	v5 =	vld.idx.msk [tilespmem:v1+s19+$0xFFFFFFE0 ss:$0x1], $0xffff;
	[tilespmem:v0+s19+$0x30 ss:$0x1] =	vst.idx.msk $0xffff, v7  }
0x49: {  	s20 =	simm.s32 $0x400;
	s18 =	simm.s32 $0x80;
	s17 =	sor.u32 $0x8000, s17;
	[tilespmem:v0+s19+$0xFFFFFFC0 ss:$0x1] =	vst.idx.msk $0xffff, v8;
	v7 =	vld.idx.msk [tilespmem:v1+s19+$0xFFFFFFF0 ss:$0x1], $0xffff  }
.LBB1_3:
0x4a: {  	p0 =	sne.s32 s20, $0xFE00;
	v8 =	vld.idx.msk [tilespmem:v1+s18+$0x0 ss:$0x1], $0xffff;
	[tilespmem:v0+s19+$0xFFFFFFD0 ss:$0x1] =	vst.idx.msk $0xffff, v6  }
0x4b: {  	v9 =	vld.idx.msk [tilespmem:v1+s18+$0xFFFFFF90 ss:$0x1], $0xffff;
	[tilespmem:v0+s19+$0xFFFFFFE0 ss:$0x1] =	vst.idx.msk $0xffff, v4  }
0x4c: {  	v6 =	vld.idx.msk [tilespmem:v1+s18+$0xFFFFFFA0 ss:$0x1], $0xffff;
	[tilespmem:v0+s19+$0xFFFFFFF0 ss:$0x1] =	vst.idx.msk $0xffff, v2  }
.Ltmp3:
0x4d: {  	v4 =	vld.idx.msk [tilespmem:v1+s18+$0xFFFFFFB0 ss:$0x1], $0xffff;
	[tilespmem:v0+s19+$0x0 ss:$0x1] =	vst.idx.msk $0xffff, v3;
	(pc) =	sbr.rel @p0 .LBB1_3-.Ltmp3, $4  }
0x4e: {  	v2 =	vld.idx.msk [tilespmem:v1+s18+$0xFFFFFFC0 ss:$0x1], $0xffff;
	[tilespmem:v0+s19+$0x10 ss:$0x1] =	vst.idx.msk $0xffff, v5  }
0x4f: {  	v3 =	vld.idx.msk [tilespmem:v1+s18+$0xFFFFFFD0 ss:$0x1], $0xffff;
	[tilespmem:v0+s19+$0x20 ss:$0x1] =	vst.idx.msk $0xffff, v7;
	s19 =	smov.u32 s18  }
0x50: {  	v5 =	vld.idx.msk [tilespmem:v1+s19+$0xFFFFFFE0 ss:$0x1], $0xffff;
	[tilespmem:v0+s19+$0x30 ss:$0x1] =	vst.idx.msk $0xffff, v8  }
0x51: {  	s18 =	sshra.s32 s20, $0x2;
	s20 =	sadd.s32 $0x200, s20;
	[tilespmem:v0+s19+$0xFFFFFFC0 ss:$0x1] =	vst.idx.msk $0xffff, v9;
	v7 =	vld.idx.msk [tilespmem:v1+s19+$0xFFFFFFF0 ss:$0x1], $0xffff  }
.Ltmp4:
0x52: {  	_ = 	snop;
	(pc) =	sbr.rel .LBB1_4-.Ltmp4, $1  }
0x53: {  	_ =	sdelay $0x3  }
.LBB1_6:
0x54: {  	_ =	sfence.sel $0x180000  }
0x55: {  	s2 =	simm.s32 $0x1;
	[bflag:$0x0] =	sbarrier.arrive $0xFFFF  }
0x56: {  	s31 =	simm.s32 $0x2;
	[sflag:s2] =	ssyncpa.u1 $0x1  }
0x57: {  	[sflag:s31] =	ssyncpa.u1 $0x1  }
0x58: {  	p0 =	sne.s32 s0, $0x0;
	_ =	strace $0x90000047  }
0x59: {  	s0 =	sadd.s32 @!p0 $0x100000, s1;
	[bflag:$0x2] =	sbarrier.arrive $0xFFFF  }
0x5a: {  	[sflag:s0] =	ssyncadd.tile.s32 @!p0 $0x1;
	_ =	shalt  }
.Lfunc_end1:
_tile_overlayer_lowered:
.L_overlay_start_2:
0x5b: {  	(tag) =	ssettag $0x2  }
0x5c: {  	s0 =	rddreg [dreg:$0x0];
	s2 =	stileid.u32  }
0x5d: {  	s1 =	rddreg [dreg:$0x1];
	p0 =	sne.s32 s2, $0x0  }
0x5e: {  	s3 =	rddreg [dreg:$0x2];
	[bflag:$0x3] =	sbarrier.arrive $0xFFFF;
	s2 =	simm.s32 @!p0 $0x1C01  }
0x5f: {  	[timem:s3], [sflag:s2] =	dma.local @!p0 [hbm:s0], s1  }
0x60: {  	s0 =	simm.s32 @!p0 $0x1  }
0x61: {  	_ =	swait.ge @!p0 [sflag:s0], s1  }
0x62: {  	s1 =	ssub.s32 @!p0 $0x0, s1;
	[sflag:s0] =	ssyncset.done @!p0 $0x0  }
0x63: {  	[sflag:s0] =	ssyncadd.s32 @!p0 s1  }
0x64: {  	[bflag:$0x3] =	sbarrier.arrive $0xFFFF  }
0x65: {  	_ =	shalt  }

</sc_bundles>
